<compile_context>
chip_gen: v7x
topology: tpu7x:2x2x1
jax: 0.10.2.dev20260603
libtpu: 0.0.44.dev20260713+nightly
codegen_flags: <defaults>
</compile_context>

<pallas_src>
import functools

import jax
import jax.numpy as jnp
from jax import lax
from jax.experimental import pallas as pl
from jax.experimental.pallas import tpu as pltpu
from jax.experimental.pallas import tpu_sc as plsc

N_POSES = 1024
MAX_BLOCKS = 512
N_TABLE = 201
N_TABLE_PAD = 256

_info = plsc.get_sparse_core_info()
NC, NS, L = _info.num_cores, _info.num_subcores, _info.num_lanes
NW = NC * NS
POSES_PER_W = N_POSES // NW
GROUPS = POSES_PER_W // L
NQ = MAX_BLOCKS // 4


@functools.partial(
    pl.kernel,
    mesh=plsc.VectorSubcoreMesh(core_axis_name="c", subcore_axis_name="s"),
    out_type=jax.ShapeDtypeStruct((N_POSES,), jnp.float32),
    compiler_params=pltpu.CompilerParams(needs_layout_passes=False),
    scratch_types=[
        pltpu.VMEM((POSES_PER_W, NQ), jnp.int32),
        pltpu.VMEM((N_TABLE_PAD,), jnp.float32),
        pltpu.VMEM((POSES_PER_W,), jnp.float32),
        pltpu.SemaphoreType.DMA,
        pltpu.SemaphoreType.DMA,
    ],
)
def _score_poses(bt_hbm, w_hbm, out_hbm, bt_v, w_v, out_v, sem0, sem1):
    wid = lax.axis_index("s") * NC + lax.axis_index("c")
    p0 = wid * POSES_PER_W
    cp0 = pltpu.async_copy(
        bt_hbm.at[pl.ds(p0, L), :], bt_v.at[pl.ds(0, L), :], sem0)
    cp1 = pltpu.async_copy(
        bt_hbm.at[pl.ds(p0 + L, L), :], bt_v.at[pl.ds(L, L), :], sem1)
    pltpu.sync_copy(w_hbm, w_v.at[pl.ds(0, N_TABLE)])
    lane = lax.iota(jnp.int32, L)
    for g, cp in ((0, cp0), (1, cp1)):
        cp.wait()
        rows = g * L + lane
        zeros = jnp.zeros((L,), jnp.float32)

        @plsc.parallel_loop(0, NQ, step=1, unroll=4, carry=(zeros,) * 4)
        def accs(bq, accs):
            wv = plsc.load_gather(bt_v, [rows, jnp.full((L,), bq, jnp.int32)])
            a0, a1, a2, a3 = accs
            i0 = (wv & 0xFF) + 1
            i1 = (lax.shift_right_logical(wv, 8) & 0xFF) + 1
            i2 = (lax.shift_right_logical(wv, 16) & 0xFF) + 1
            i3 = lax.shift_right_logical(wv, 24) + 1
            a0 = a0 + plsc.load_gather(w_v, [i0])
            a1 = a1 + plsc.load_gather(w_v, [i1])
            a2 = a2 + plsc.load_gather(w_v, [i2])
            a3 = a3 + plsc.load_gather(w_v, [i3])
            return (a0, a1, a2, a3)

        out_v[pl.ds(g * L, L)] = sum(accs)
    pltpu.sync_copy(out_v, out_hbm.at[pl.ds(p0, POSES_PER_W)])


def kernel(coords, pose_stack_block_coord_offset, pose_stack_block_types,
           pose_stack_inter_block_connections, bt_atom_downstream_of_conn,
           ref_weights):
    r = pose_stack_block_types.reshape(N_POSES, NQ, 4).astype(jnp.uint32)
    btw = (r[..., 0] | (r[..., 1] << 8) | (r[..., 2] << 16)
           | (r[..., 3] << 24)).view(jnp.int32)
    score = _score_poses(btw, ref_weights.astype(jnp.float32))
    return score[None, :]

# --- scband reference (transcript-rebuilt; emitter-appended) ---
"""Pipeline reference for scband-ref-whole-pose-scoring-module-59253368816106 (READ-ONLY COPY).

The authoritative reference and input builder live on the scoring server;
editing this copy changes nothing except your own understanding.
"""

import jax, jax.numpy as jnp
import numpy as np


def setup_inputs(seed: int = 0) -> dict:
    key = jax.random.key(seed)
    k1, k2, k3, k4, k5, k6 = jax.random.split(key, 6)
    n_poses, max_blocks, n_bt, max_conn, max_atoms = 1024, 512, 200, 4, 32
    coords = jax.random.normal(k1, (n_poses, 2048, 3), dtype=jnp.float32)
    pose_stack_block_coord_offset = jax.random.randint(k2, (n_poses, max_blocks), 0, 2048).astype(jnp.int32)
    pose_stack_block_types = jax.random.randint(k3, (n_poses, max_blocks), 0, n_bt)
    pose_stack_inter_block_connections = jax.random.randint(k4, (n_poses, max_blocks, max_conn, 2), 0, max_blocks)
    bt_atom_downstream_of_conn = jax.random.randint(k5, (n_bt, max_conn, max_atoms), 0, max_atoms)
    ref_weights = jax.random.normal(k6, (n_bt + 1,), dtype=jnp.float32)
    return {
        "coords": coords,
        "pose_stack_block_coord_offset": pose_stack_block_coord_offset,
        "pose_stack_block_types": pose_stack_block_types,
        "pose_stack_inter_block_connections": pose_stack_inter_block_connections,
        "bt_atom_downstream_of_conn": bt_atom_downstream_of_conn,
        "ref_weights": ref_weights,
    }


def reference(coords, pose_stack_block_coord_offset, pose_stack_block_types, pose_stack_inter_block_connections, bt_atom_downstream_of_conn, ref_weights):
    # score = index_select(ref_weights, 0, (block_types + 1).flatten())
    idx = (pose_stack_block_types + 1).reshape(-1)
    score = jnp.take(ref_weights, idx, axis=0)
    # reshape to (n_poses, -1) and sum per pose
    score = score.reshape(pose_stack_block_types.shape[0], -1)
    score = jnp.sum(score, axis=1)
    # unsqueeze(0)
    return score[None, :]

if __name__ == "__main__":
    import jax
    _d = setup_inputs()
    print(jax.jit(kernel)(*tuple(_d.values())))

</pallas_src>

<mosaic_0001>
#map = affine_map<(d0, d1) -> (0, 0)>
#map1 = affine_map<(d0, d1) -> (0)>
module attributes {stable_mosaic.version = 14 : i64} {
  func.func @_score_poses(%arg0: i32, %arg1: i32, %arg2: memref<1024x128xi32, #tpu.memory_space<hbm>>, %arg3: memref<201xf32, #tpu.memory_space<hbm>>, %arg4: memref<1024xf32, #tpu.memory_space<hbm>>, %arg5: memref<32x128xi32, #tpu.memory_space<vmem>>, %arg6: memref<256xf32, #tpu.memory_space<vmem>>, %arg7: memref<32xf32, #tpu.memory_space<vmem>>, %arg8: memref<!tpu.dma_semaphore, #tpu.memory_space<semaphore_mem>>, %arg9: memref<!tpu.dma_semaphore, #tpu.memory_space<semaphore_mem>>) attributes {dimension_semantics = [#tpu.dimension_semantics<core_parallel>, #tpu.dimension_semantics<subcore_parallel>], iteration_bounds = array<i64: 2, 16>, scalar_prefetch = 0 : i64, scratch_operands = 5 : i64, tpu.core_type = #tpu.core_type<sc_vector_subcore>, window_params = [{transform_indices = #map}, {transform_indices = #map1}, {transform_indices = #map1}]} {
    %mul3A = arith.constant 2 : i32
    %mul3A_0 = arith.muli %arg1, %mul3A : i32
    %add3A = arith.addi %mul3A_0, %arg0 : i32
    %mul3A_1 = arith.constant 32 : i32
    %mul3A_2 = arith.muli %add3A, %mul3A_1 : i32
    %dma_start3A = arith.constant 0 : i32
    %dma_start3A_3 = arith.constant 0 : i32
    %dma_start3A_4 = tpu.memref_slice %arg5[%dma_start3A, %dma_start3A_3] : memref<32x128xi32, #tpu.memory_space<vmem>> -> memref<16x128xi32, #tpu.memory_space<vmem>>
    %dma_start3A_5 = arith.constant 0 : i32
    %dma_start3A_6 = tpu.memref_slice %arg2[%mul3A_2, %dma_start3A_5] : memref<1024x128xi32, #tpu.memory_space<hbm>> -> memref<16x128xi32, #tpu.memory_space<hbm>>
    %dma_start3A_7 = arith.constant 0 : i32
    %dma_start3A_8 = arith.constant 0 : i32
    %dma_start3A_9 = tpu.memref_slice %arg5[%dma_start3A_7, %dma_start3A_8] : memref<32x128xi32, #tpu.memory_space<vmem>> -> memref<16x128xi32, #tpu.memory_space<vmem>>
    %dma_start3A_10 = arith.constant 0 : i32
    %dma_start3A_11 = tpu.memref_slice %arg2[%mul3A_2, %dma_start3A_10] : memref<1024x128xi32, #tpu.memory_space<hbm>> -> memref<16x128xi32, #tpu.memory_space<hbm>>
    tpu.enqueue_dma source(%dma_start3A_11 : memref<16x128xi32, #tpu.memory_space<hbm>>) target(%dma_start3A_9 : memref<16x128xi32, #tpu.memory_space<vmem>>) target_semaphore(%arg8 : memref<!tpu.dma_semaphore, #tpu.memory_space<semaphore_mem>>)
    %add3A_12 = arith.constant 16 : i32
    %add3A_13 = arith.addi %mul3A_2, %add3A_12 : i32
    %dma_start3A_14 = arith.constant 16 : i32
    %dma_start3A_15 = arith.constant 0 : i32
    %dma_start3A_16 = tpu.memref_slice %arg5[%dma_start3A_14, %dma_start3A_15] : memref<32x128xi32, #tpu.memory_space<vmem>> -> memref<16x128xi32, #tpu.memory_space<vmem>>
    %dma_start3A_17 = arith.constant 0 : i32
    %dma_start3A_18 = tpu.memref_slice %arg2[%add3A_13, %dma_start3A_17] : memref<1024x128xi32, #tpu.memory_space<hbm>> -> memref<16x128xi32, #tpu.memory_space<hbm>>
    %dma_start3A_19 = arith.constant 16 : i32
    %dma_start3A_20 = arith.constant 0 : i32
    %dma_start3A_21 = tpu.memref_slice %arg5[%dma_start3A_19, %dma_start3A_20] : memref<32x128xi32, #tpu.memory_space<vmem>> -> memref<16x128xi32, #tpu.memory_space<vmem>>
    %dma_start3A_22 = arith.constant 0 : i32
    %dma_start3A_23 = tpu.memref_slice %arg2[%add3A_13, %dma_start3A_22] : memref<1024x128xi32, #tpu.memory_space<hbm>> -> memref<16x128xi32, #tpu.memory_space<hbm>>
    tpu.enqueue_dma source(%dma_start3A_23 : memref<16x128xi32, #tpu.memory_space<hbm>>) target(%dma_start3A_21 : memref<16x128xi32, #tpu.memory_space<vmem>>) target_semaphore(%arg9 : memref<!tpu.dma_semaphore, #tpu.memory_space<semaphore_mem>>)
    "tpu.region"() ({
      %run_scoped3A = tpu.sem_alloc : memref<!tpu.dma_semaphore, #tpu.memory_space<semaphore_mem>>
      %dma_start3A_74 = arith.constant 0 : i32
      %dma_start3A_75 = tpu.memref_slice %arg6[%dma_start3A_74] : memref<256xf32, #tpu.memory_space<vmem>> -> memref<201xf32, #tpu.memory_space<vmem>>
      %dma_start3A_76 = arith.constant 0 : i32
      %dma_start3A_77 = tpu.memref_slice %arg6[%dma_start3A_76] : memref<256xf32, #tpu.memory_space<vmem>> -> memref<201xf32, #tpu.memory_space<vmem>>
      tpu.enqueue_dma source(%arg3 : memref<201xf32, #tpu.memory_space<hbm>>) target(%dma_start3A_77 : memref<201xf32, #tpu.memory_space<vmem>>) target_semaphore(%run_scoped3A : memref<!tpu.dma_semaphore, #tpu.memory_space<semaphore_mem>>)
      %dma_wait3A_78 = arith.constant 0 : i32
      %dma_wait3A_79 = tpu.memref_slice %arg6[%dma_wait3A_78] : memref<256xf32, #tpu.memory_space<vmem>> -> memref<201xf32, #tpu.memory_space<vmem>>
      %dma_wait3A_80 = arith.constant 0 : i32
      %dma_wait3A_81 = tpu.memref_slice %arg6[%dma_wait3A_80] : memref<256xf32, #tpu.memory_space<vmem>> -> memref<201xf32, #tpu.memory_space<vmem>>
      tpu.wait_dma2 semaphore(%run_scoped3A : memref<!tpu.dma_semaphore, #tpu.memory_space<semaphore_mem>>) src(%arg3 : memref<201xf32, #tpu.memory_space<hbm>>) dst(%dma_wait3A_81 : memref<201xf32, #tpu.memory_space<vmem>>)
      tpu.yield
    }) : () -> ()
    %iota3A = tpu.iota {dimensions = array<i32: 0>} : vector<16xi32>
    %dma_wait3A = arith.constant 0 : i32
    %dma_wait3A_24 = arith.constant 0 : i32
    %dma_wait3A_25 = tpu.memref_slice %arg5[%dma_wait3A, %dma_wait3A_24] : memref<32x128xi32, #tpu.memory_space<vmem>> -> memref<16x128xi32, #tpu.memory_space<vmem>>
    %dma_wait3A_26 = arith.constant 0 : i32
    %dma_wait3A_27 = tpu.memref_slice %arg2[%mul3A_2, %dma_wait3A_26] : memref<1024x128xi32, #tpu.memory_space<hbm>> -> memref<16x128xi32, #tpu.memory_space<hbm>>
    %dma_wait3A_28 = arith.constant 0 : i32
    %dma_wait3A_29 = arith.constant 0 : i32
    %dma_wait3A_30 = tpu.memref_slice %arg5[%dma_wait3A_28, %dma_wait3A_29] : memref<32x128xi32, #tpu.memory_space<vmem>> -> memref<16x128xi32, #tpu.memory_space<vmem>>
    %dma_wait3A_31 = arith.constant 0 : i32
    %dma_wait3A_32 = tpu.memref_slice %arg2[%mul3A_2, %dma_wait3A_31] : memref<1024x128xi32, #tpu.memory_space<hbm>> -> memref<16x128xi32, #tpu.memory_space<hbm>>
    tpu.wait_dma2 semaphore(%arg8 : memref<!tpu.dma_semaphore, #tpu.memory_space<semaphore_mem>>) src(%dma_wait3A_32 : memref<16x128xi32, #tpu.memory_space<hbm>>) dst(%dma_wait3A_30 : memref<16x128xi32, #tpu.memory_space<vmem>>)
    %add3A_33 = arith.constant 0 : i32
    %add3A_34 = vector.broadcast %add3A_33 : i32 to vector<16xi32>
    %add3A_35 = arith.addi %add3A_34, %iota3A : vector<16xi32>
    %broadcast_in_dim3A = arith.constant 0.000000e+00 : f32
    %broadcast_in_dim3A_36 = vector.broadcast %broadcast_in_dim3A : f32 to vector<16xf32>
    %parallel_loop3A = arith.constant 0 : i32
    %parallel_loop3A_37 = arith.constant 128 : i32
    %parallel_loop3A_38 = arith.constant 1 : i32
    %parallel_loop3A_39:4 = scf.for %parallel_loop3A_74 = %parallel_loop3A to %parallel_loop3A_37 step %parallel_loop3A_38 iter_args(%parallel_loop3A_75 = %broadcast_in_dim3A_36, %parallel_loop3A_76 = %broadcast_in_dim3A_36, %parallel_loop3A_77 = %broadcast_in_dim3A_36, %parallel_loop3A_78 = %broadcast_in_dim3A_36) -> (vector<16xf32>, vector<16xf32>, vector<16xf32>, vector<16xf32>)  : i32 {
      %parallel_loop3A_79 = vector.broadcast %parallel_loop3A_74 : i32 to vector<16xi32>
      %parallel_loop3A_80 = tpu.vector_load_idx %arg5[%add3A_35, %parallel_loop3A_79] : memref<32x128xi32, #tpu.memory_space<vmem>>[vector<16xi32>, vector<16xi32>], vector<16xi32>,
      %parallel_loop3A_81 = arith.constant 255 : i32
      %parallel_loop3A_82 = vector.broadcast %parallel_loop3A_81 : i32 to vector<16xi32>
      %parallel_loop3A_83 = arith.andi %parallel_loop3A_80, %parallel_loop3A_82 : vector<16xi32>
      %parallel_loop3A_84 = arith.constant 1 : i32
      %parallel_loop3A_85 = vector.broadcast %parallel_loop3A_84 : i32 to vector<16xi32>
      %parallel_loop3A_86 = arith.addi %parallel_loop3A_83, %parallel_loop3A_85 : vector<16xi32>
      %parallel_loop3A_87 = arith.constant 8 : i32
      %parallel_loop3A_88 = vector.broadcast %parallel_loop3A_87 : i32 to vector<16xi32>
      %parallel_loop3A_89 = arith.shrui %parallel_loop3A_80, %parallel_loop3A_88 : vector<16xi32>
      %parallel_loop3A_90 = arith.constant 255 : i32
      %parallel_loop3A_91 = vector.broadcast %parallel_loop3A_90 : i32 to vector<16xi32>
      %parallel_loop3A_92 = arith.andi %parallel_loop3A_89, %parallel_loop3A_91 : vector<16xi32>
      %parallel_loop3A_93 = arith.constant 1 : i32
      %parallel_loop3A_94 = vector.broadcast %parallel_loop3A_93 : i32 to vector<16xi32>
      %parallel_loop3A_95 = arith.addi %parallel_loop3A_92, %parallel_loop3A_94 : vector<16xi32>
      %parallel_loop3A_96 = arith.constant 16 : i32
      %parallel_loop3A_97 = vector.broadcast %parallel_loop3A_96 : i32 to vector<16xi32>
      %parallel_loop3A_98 = arith.shrui %parallel_loop3A_80, %parallel_loop3A_97 : vector<16xi32>
      %parallel_loop3A_99 = arith.constant 255 : i32
      %parallel_loop3A_100 = vector.broadcast %parallel_loop3A_99 : i32 to vector<16xi32>
      %parallel_loop3A_101 = arith.andi %parallel_loop3A_98, %parallel_loop3A_100 : vector<16xi32>
      %parallel_loop3A_102 = arith.constant 1 : i32
      %parallel_loop3A_103 = vector.broadcast %parallel_loop3A_102 : i32 to vector<16xi32>
      %parallel_loop3A_104 = arith.addi %parallel_loop3A_101, %parallel_loop3A_103 : vector<16xi32>
      %parallel_loop3A_105 = arith.constant 24 : i32
      %parallel_loop3A_106 = vector.broadcast %parallel_loop3A_105 : i32 to vector<16xi32>
      %parallel_loop3A_107 = arith.shrui %parallel_loop3A_80, %parallel_loop3A_106 : vector<16xi32>
      %parallel_loop3A_108 = arith.constant 1 : i32
      %parallel_loop3A_109 = vector.broadcast %parallel_loop3A_108 : i32 to vector<16xi32>
      %parallel_loop3A_110 = arith.addi %parallel_loop3A_107, %parallel_loop3A_109 : vector<16xi32>
      %parallel_loop3A_111 = tpu.vector_load_idx %arg6[%parallel_loop3A_86] : memref<256xf32, #tpu.memory_space<vmem>>[vector<16xi32>], vector<16xf32>,
      %parallel_loop3A_112 = arith.addf %parallel_loop3A_75, %parallel_loop3A_111 : vector<16xf32>
      %parallel_loop3A_113 = tpu.vector_load_idx %arg6[%parallel_loop3A_95] : memref<256xf32, #tpu.memory_space<vmem>>[vector<16xi32>], vector<16xf32>,
      %parallel_loop3A_114 = arith.addf %parallel_loop3A_76, %parallel_loop3A_113 : vector<16xf32>
      %parallel_loop3A_115 = tpu.vector_load_idx %arg6[%parallel_loop3A_104] : memref<256xf32, #tpu.memory_space<vmem>>[vector<16xi32>], vector<16xf32>,
      %parallel_loop3A_116 = arith.addf %parallel_loop3A_77, %parallel_loop3A_115 : vector<16xf32>
      %parallel_loop3A_117 = tpu.vector_load_idx %arg6[%parallel_loop3A_110] : memref<256xf32, #tpu.memory_space<vmem>>[vector<16xi32>], vector<16xf32>,
      %parallel_loop3A_118 = arith.addf %parallel_loop3A_78, %parallel_loop3A_117 : vector<16xf32>
      scf.yield %parallel_loop3A_112, %parallel_loop3A_114, %parallel_loop3A_116, %parallel_loop3A_118 : vector<16xf32>, vector<16xf32>, vector<16xf32>, vector<16xf32>
    } {sc.loop_unroll_factor = 4 : i64, sc.parallel_access}
    %add3A_40 = arith.constant 0.000000e+00 : f32
    %add3A_41 = vector.broadcast %add3A_40 : f32 to vector<16xf32>
    %add3A_42 = arith.addf %add3A_41, %parallel_loop3A_39#0 : vector<16xf32>
    %add3A_43 = arith.addf %add3A_42, %parallel_loop3A_39#1 : vector<16xf32>
    %add3A_44 = arith.addf %add3A_43, %parallel_loop3A_39#2 : vector<16xf32>
    %add3A_45 = arith.addf %add3A_44, %parallel_loop3A_39#3 : vector<16xf32>
    %swap3A = arith.constant 0 : index
    %swap3A_46 = tpu.vector_load %arg7[%swap3A] {strides = array<i32>} : memref<32xf32, #tpu.memory_space<vmem>>, vector<16xf32>,
    tpu.vector_store %arg7[%swap3A], %add3A_45 {strides = array<i32>} : memref<32xf32, #tpu.memory_space<vmem>>, vector<16xf32>,
    %dma_wait3A_47 = arith.constant 16 : i32
    %dma_wait3A_48 = arith.constant 0 : i32
    %dma_wait3A_49 = tpu.memref_slice %arg5[%dma_wait3A_47, %dma_wait3A_48] : memref<32x128xi32, #tpu.memory_space<vmem>> -> memref<16x128xi32, #tpu.memory_space<vmem>>
    %dma_wait3A_50 = arith.constant 0 : i32
    %dma_wait3A_51 = tpu.memref_slice %arg2[%add3A_13, %dma_wait3A_50] : memref<1024x128xi32, #tpu.memory_space<hbm>> -> memref<16x128xi32, #tpu.memory_space<hbm>>
    %dma_wait3A_52 = arith.constant 16 : i32
    %dma_wait3A_53 = arith.constant 0 : i32
    %dma_wait3A_54 = tpu.memref_slice %arg5[%dma_wait3A_52, %dma_wait3A_53] : memref<32x128xi32, #tpu.memory_space<vmem>> -> memref<16x128xi32, #tpu.memory_space<vmem>>
    %dma_wait3A_55 = arith.constant 0 : i32
    %dma_wait3A_56 = tpu.memref_slice %arg2[%add3A_13, %dma_wait3A_55] : memref<1024x128xi32, #tpu.memory_space<hbm>> -> memref<16x128xi32, #tpu.memory_space<hbm>>
    tpu.wait_dma2 semaphore(%arg9 : memref<!tpu.dma_semaphore, #tpu.memory_space<semaphore_mem>>) src(%dma_wait3A_56 : memref<16x128xi32, #tpu.memory_space<hbm>>) dst(%dma_wait3A_54 : memref<16x128xi32, #tpu.memory_space<vmem>>)
    %add3A_57 = arith.constant 16 : i32
    %add3A_58 = vector.broadcast %add3A_57 : i32 to vector<16xi32>
    %add3A_59 = arith.addi %add3A_58, %iota3A : vector<16xi32>
    %broadcast_in_dim3A_60 = arith.constant 0.000000e+00 : f32
    %broadcast_in_dim3A_61 = vector.broadcast %broadcast_in_dim3A_60 : f32 to vector<16xf32>
    %parallel_loop3A_62 = arith.constant 0 : i32
    %parallel_loop3A_63 = arith.constant 128 : i32
    %parallel_loop3A_64 = arith.constant 1 : i32
    %parallel_loop3A_65:4 = scf.for %parallel_loop3A_74 = %parallel_loop3A_62 to %parallel_loop3A_63 step %parallel_loop3A_64 iter_args(%parallel_loop3A_75 = %broadcast_in_dim3A_61, %parallel_loop3A_76 = %broadcast_in_dim3A_61, %parallel_loop3A_77 = %broadcast_in_dim3A_61, %parallel_loop3A_78 = %broadcast_in_dim3A_61) -> (vector<16xf32>, vector<16xf32>, vector<16xf32>, vector<16xf32>)  : i32 {
      %parallel_loop3A_79 = vector.broadcast %parallel_loop3A_74 : i32 to vector<16xi32>
      %parallel_loop3A_80 = tpu.vector_load_idx %arg5[%add3A_59, %parallel_loop3A_79] : memref<32x128xi32, #tpu.memory_space<vmem>>[vector<16xi32>, vector<16xi32>], vector<16xi32>,
      %parallel_loop3A_81 = arith.constant 255 : i32
      %parallel_loop3A_82 = vector.broadcast %parallel_loop3A_81 : i32 to vector<16xi32>
      %parallel_loop3A_83 = arith.andi %parallel_loop3A_80, %parallel_loop3A_82 : vector<16xi32>
      %parallel_loop3A_84 = arith.constant 1 : i32
      %parallel_loop3A_85 = vector.broadcast %parallel_loop3A_84 : i32 to vector<16xi32>
      %parallel_loop3A_86 = arith.addi %parallel_loop3A_83, %parallel_loop3A_85 : vector<16xi32>
      %parallel_loop3A_87 = arith.constant 8 : i32
      %parallel_loop3A_88 = vector.broadcast %parallel_loop3A_87 : i32 to vector<16xi32>
      %parallel_loop3A_89 = arith.shrui %parallel_loop3A_80, %parallel_loop3A_88 : vector<16xi32>
      %parallel_loop3A_90 = arith.constant 255 : i32
      %parallel_loop3A_91 = vector.broadcast %parallel_loop3A_90 : i32 to vector<16xi32>
      %parallel_loop3A_92 = arith.andi %parallel_loop3A_89, %parallel_loop3A_91 : vector<16xi32>
      %parallel_loop3A_93 = arith.constant 1 : i32
      %parallel_loop3A_94 = vector.broadcast %parallel_loop3A_93 : i32 to vector<16xi32>
      %parallel_loop3A_95 = arith.addi %parallel_loop3A_92, %parallel_loop3A_94 : vector<16xi32>
      %parallel_loop3A_96 = arith.constant 16 : i32
      %parallel_loop3A_97 = vector.broadcast %parallel_loop3A_96 : i32 to vector<16xi32>
      %parallel_loop3A_98 = arith.shrui %parallel_loop3A_80, %parallel_loop3A_97 : vector<16xi32>
      %parallel_loop3A_99 = arith.constant 255 : i32
      %parallel_loop3A_100 = vector.broadcast %parallel_loop3A_99 : i32 to vector<16xi32>
      %parallel_loop3A_101 = arith.andi %parallel_loop3A_98, %parallel_loop3A_100 : vector<16xi32>
      %parallel_loop3A_102 = arith.constant 1 : i32
      %parallel_loop3A_103 = vector.broadcast %parallel_loop3A_102 : i32 to vector<16xi32>
      %parallel_loop3A_104 = arith.addi %parallel_loop3A_101, %parallel_loop3A_103 : vector<16xi32>
      %parallel_loop3A_105 = arith.constant 24 : i32
      %parallel_loop3A_106 = vector.broadcast %parallel_loop3A_105 : i32 to vector<16xi32>
      %parallel_loop3A_107 = arith.shrui %parallel_loop3A_80, %parallel_loop3A_106 : vector<16xi32>
      %parallel_loop3A_108 = arith.constant 1 : i32
      %parallel_loop3A_109 = vector.broadcast %parallel_loop3A_108 : i32 to vector<16xi32>
      %parallel_loop3A_110 = arith.addi %parallel_loop3A_107, %parallel_loop3A_109 : vector<16xi32>
      %parallel_loop3A_111 = tpu.vector_load_idx %arg6[%parallel_loop3A_86] : memref<256xf32, #tpu.memory_space<vmem>>[vector<16xi32>], vector<16xf32>,
      %parallel_loop3A_112 = arith.addf %parallel_loop3A_75, %parallel_loop3A_111 : vector<16xf32>
      %parallel_loop3A_113 = tpu.vector_load_idx %arg6[%parallel_loop3A_95] : memref<256xf32, #tpu.memory_space<vmem>>[vector<16xi32>], vector<16xf32>,
      %parallel_loop3A_114 = arith.addf %parallel_loop3A_76, %parallel_loop3A_113 : vector<16xf32>
      %parallel_loop3A_115 = tpu.vector_load_idx %arg6[%parallel_loop3A_104] : memref<256xf32, #tpu.memory_space<vmem>>[vector<16xi32>], vector<16xf32>,
      %parallel_loop3A_116 = arith.addf %parallel_loop3A_77, %parallel_loop3A_115 : vector<16xf32>
      %parallel_loop3A_117 = tpu.vector_load_idx %arg6[%parallel_loop3A_110] : memref<256xf32, #tpu.memory_space<vmem>>[vector<16xi32>], vector<16xf32>,
      %parallel_loop3A_118 = arith.addf %parallel_loop3A_78, %parallel_loop3A_117 : vector<16xf32>
      scf.yield %parallel_loop3A_112, %parallel_loop3A_114, %parallel_loop3A_116, %parallel_loop3A_118 : vector<16xf32>, vector<16xf32>, vector<16xf32>, vector<16xf32>
    } {sc.loop_unroll_factor = 4 : i64, sc.parallel_access}
    %add3A_66 = arith.constant 0.000000e+00 : f32
    %add3A_67 = vector.broadcast %add3A_66 : f32 to vector<16xf32>
    %add3A_68 = arith.addf %add3A_67, %parallel_loop3A_65#0 : vector<16xf32>
    %add3A_69 = arith.addf %add3A_68, %parallel_loop3A_65#1 : vector<16xf32>
    %add3A_70 = arith.addf %add3A_69, %parallel_loop3A_65#2 : vector<16xf32>
    %add3A_71 = arith.addf %add3A_70, %parallel_loop3A_65#3 : vector<16xf32>
    %swap3A_72 = arith.constant 16 : index
    %swap3A_73 = tpu.vector_load %arg7[%swap3A_72] {strides = array<i32>} : memref<32xf32, #tpu.memory_space<vmem>>, vector<16xf32>,
    tpu.vector_store %arg7[%swap3A_72], %add3A_71 {strides = array<i32>} : memref<32xf32, #tpu.memory_space<vmem>>, vector<16xf32>,
    "tpu.region"() ({
      %run_scoped3A = tpu.sem_alloc : memref<!tpu.dma_semaphore, #tpu.memory_space<semaphore_mem>>
      %dma_start3A_74 = tpu.memref_slice %arg4[%mul3A_2] : memref<1024xf32, #tpu.memory_space<hbm>> -> memref<32xf32, #tpu.memory_space<hbm>>
      %dma_start3A_75 = tpu.memref_slice %arg4[%mul3A_2] : memref<1024xf32, #tpu.memory_space<hbm>> -> memref<32xf32, #tpu.memory_space<hbm>>
      tpu.enqueue_dma source(%arg7 : memref<32xf32, #tpu.memory_space<vmem>>) target(%dma_start3A_75 : memref<32xf32, #tpu.memory_space<hbm>>) target_semaphore(%run_scoped3A : memref<!tpu.dma_semaphore, #tpu.memory_space<semaphore_mem>>)
      %dma_wait3A_76 = tpu.memref_slice %arg4[%mul3A_2] : memref<1024xf32, #tpu.memory_space<hbm>> -> memref<32xf32, #tpu.memory_space<hbm>>
      %dma_wait3A_77 = tpu.memref_slice %arg4[%mul3A_2] : memref<1024xf32, #tpu.memory_space<hbm>> -> memref<32xf32, #tpu.memory_space<hbm>>
      tpu.wait_dma2 semaphore(%run_scoped3A : memref<!tpu.dma_semaphore, #tpu.memory_space<semaphore_mem>>) src(%arg7 : memref<32xf32, #tpu.memory_space<vmem>>) dst(%dma_wait3A_77 : memref<32xf32, #tpu.memory_space<hbm>>)
      tpu.yield
    }) : () -> ()
    return
  }
}

</mosaic_0001>

<sc_bundles>
// kernel: kernel.3.cloned.1.call-start
scs
__scs_entry_jumppad:
0x0: {  	(pc) =	sbr.rel $0x88, $3  }
0x1: {  	(tag) =	ssettag $0x0;
	lr =	simm.s32 $0x1  }
0x2: {  	[smem:$0x3F9F] =	sst lr;
	_ =	strace $0xD0000000  }
0x3: {  	_ = 	snop  }
0x4: {  	_ = 	snop  }
0x5: {  	_ = 	snop  }
0x6: {  	_ = 	snop  }
0x7: {  	_ = 	snop  }
__scs_overlays_trampoline_lowered:
0x8: {  	[smem:$0x3FAE] =	sst s0  }
0x9: {  	[smem:$0x3FAF] =	sst s1  }
0xa: {  	[smem:$0x3FB0] =	sst s2  }
0xb: {  	[smem:$0x3FB1] =	sst s3  }
0xc: {  	[smem:$0x3FB2] =	sst s4  }
0xd: {  	[smem:$0x3FB3] =	sst s5  }
0xe: {  	[smem:$0x3FB4] =	sst s6  }
0xf: {  	[smem:$0x3FB5] =	sst s7  }
0x10: {  	[smem:$0x3FB6] =	sst s8  }
0x11: {  	[smem:$0x3FB7] =	sst s9;
	s0 =	simm.s32 @!p0 $0x0  }
0x12: {  	s1 =	sld [smem:$0x3F9D];
	s0 =	simm.s32 @p0 $0x1  }
0x13: {  	[smem:$0x3FB8] =	sst s0;
	s0 =	simm.s32 @!p1 $0x0  }
0x14: {  	s2 =	sld [smem:$0x3F9C];
	s0 =	simm.s32 @p1 $0x1  }
0x15: {  	[smem:$0x3FB9] =	sst s0;
	s0 =	simm.s32 @!p2 $0x0  }
0x16: {  	s3 =	sld [smem:$0x3FDB];
	s0 =	simm.s32 @p2 $0x1  }
0x17: {  	s4 =	simm.s32 $0x1BF5;
	[smem:$0x3FBB] =	sst s0  }
0x18: {  	s0 =	sld [smem:$0x3F9E];
	_ =	swait.ge [sflag:s4], $0x0  }
0x19: {  	s7 =	sld [smem:$0x3F9F]  }
0x1a: {  	s8 =	sadd.s32 $0xFFFFE003, lr  }
0x1b: {  	s9 =	sadd.s32 $0xFFFFFEF7, lr;
	s5 =	simm.s32 $0xFFFFFFFF;
	p2 =	slt.u32 s8, $0xFFFFF086  }
0x1c: {  	p1 =	slt.u32 s9, $0xF7A;
	s5 =	simm.s32 @!p2 $0x0  }
0x1d: {  	s5 =	simm.s32 @p1 $0x1;
	p0 =	seq.s32 s7, s2  }
0x1e: {  	s7 =	smul.u32 @!p0 $0xF7A, s2;
	p2 =	seq.s32 @!p0 s5, $0x0  }
0x1f: {  	s9 =	smul.u32 $0xF7A, s1;
	s8 =	simm.s32 @!p0 $0x1BF5;
	p2 =	por !p2, p0  }
0x20: {  	[sflag:s8] =	ssyncset.s32 @!p0 $0xFFFFF086;
	s6 =	sadd.s32 @!p0 s3, s7;
	s7 =	simm.s32 @!p0 $0x108  }
0x21: {  	s3 =	sadd.s32 s3, s9;
	s6 =	sadd.s32 @!p0 $0x88, s6;
	s7 =	simm.s32 @p2 $0x1082  }
0x22: {  	[simem:s7], [sflag:s8] =	dma.local @!p0 [hbm:s6], $0xF7A  }
0x23: {  	s9 =	sor.u32 $0xD0000000, s2;
	s6 =	simm.s32 $0x108;
	_ =	swait.ge @!p0 [sflag:s8], $0x0  }
0x24: {  	s3 =	sadd.s32 $0x88, s3;
	s6 =	simm.s32 @!p1 $0x1082;
	[sflag:s4] =	ssyncset.s32 $0xFFFFF086  }
0x25: {  	[simem:s6], [sflag:s4] =	dma.local [hbm:s3], $0xF7A  }
0x26: {  	[smem:$0x3F9F] =	sst s1;
	(tag) =	ssettag s2;
	_ =	strace s9  }
0x27: {  	s1 =	sld [smem:$0x3FAF]  }
0x28: {  	s2 =	sld [smem:$0x3FB0]  }
0x29: {  	s4 =	sld [smem:$0x3FB2]  }
0x2a: {  	p0 =	seq.s32 s5, $0x0;
	s5 =	sld [smem:$0x3FB3]  }
0x2b: {  	s6 =	sld [smem:$0x3FB4]  }
0x2c: {  	s7 =	sld [smem:$0x3FB5]  }
0x2d: {  	s3 =	simm.s32 $0x108;
	s8 =	sld [smem:$0x3FB6]  }
0x2e: {  	s3 =	simm.s32 @!p0 $0x1082;
	s9 =	sld [smem:$0x3FB7]  }
0x2f: {  	lr =	sadd.s32 s0, s3;
	s0 =	sld [smem:$0x3FAE]  }
0x30: {  	s3 =	sld [smem:$0x3FB1]  }
0x31: {  	[smem:$0x3FBA] =	sst s10  }
0x32: {  	s10 =	sld [smem:$0x3FB8];
	_ =	sdelay $0x3  }
0x33: {  	p0 =	seq.s32 s10, $0x1;
	s10 =	sld [smem:$0x3FBA];
	_ =	sdelay $0x3  }
0x34: {  	[smem:$0x3FBA] =	sst s10  }
0x35: {  	s10 =	sld [smem:$0x3FB9];
	_ =	sdelay $0x3  }
0x36: {  	p1 =	seq.s32 s10, $0x1;
	s10 =	sld [smem:$0x3FBA];
	_ =	sdelay $0x3  }
0x37: {  	[smem:$0x3FBA] =	sst s10  }
0x38: {  	s10 =	sld [smem:$0x3FBB]  }
0x39: {  	_ = 	snop;
	(pc) =	sbr.ind lr, $3  }
0x3a: {  	_ = 	snop  }
0x3b: {  	_ = 	snop  }
0x3c: {  	p2 =	seq.s32 s10, $0x1;
	s10 =	sld [smem:$0x3FBA]  }
0x3d: {  	_ =	shalt  }
0x3e: {  	_ =	shalt  }
0x3f: {  	_ =	shalt  }
0x40: {  	_ =	shalt  }
0x41: {  	_ =	shalt  }
0x42: {  	_ =	shalt  }
0x43: {  	_ =	shalt  }
0x44: {  	_ =	shalt  }
0x45: {  	_ =	shalt  }
0x46: {  	_ =	shalt  }
0x47: {  	_ =	shalt  }
0x48: {  	_ =	shalt  }
0x49: {  	_ =	shalt  }
0x4a: {  	_ =	shalt  }
0x4b: {  	_ =	shalt  }
0x4c: {  	_ =	shalt  }
0x4d: {  	_ =	shalt  }
0x4e: {  	_ =	shalt  }
0x4f: {  	_ =	shalt  }
0x50: {  	_ =	shalt  }
0x51: {  	_ =	shalt  }
0x52: {  	_ =	shalt  }
0x53: {  	_ =	shalt  }
0x54: {  	_ =	shalt  }
0x55: {  	_ =	shalt  }
0x56: {  	_ =	shalt  }
0x57: {  	_ =	shalt  }
0x58: {  	_ =	shalt  }
0x59: {  	_ =	shalt  }
0x5a: {  	_ =	shalt  }
0x5b: {  	_ =	shalt  }
0x5c: {  	_ =	shalt  }
0x5d: {  	_ =	shalt  }
0x5e: {  	_ =	shalt  }
0x5f: {  	_ =	shalt  }
0x60: {  	_ =	shalt  }
0x61: {  	_ =	shalt  }
0x62: {  	_ =	shalt  }
0x63: {  	_ =	shalt  }
0x64: {  	_ =	shalt  }
0x65: {  	_ =	shalt  }
0x66: {  	_ =	shalt  }
0x67: {  	_ =	shalt  }
0x68: {  	_ =	shalt  }
0x69: {  	_ =	shalt  }
0x6a: {  	_ =	shalt  }
0x6b: {  	_ =	shalt  }
0x6c: {  	_ =	shalt  }
0x6d: {  	_ =	shalt  }
0x6e: {  	_ =	shalt  }
0x6f: {  	_ =	shalt  }
0x70: {  	_ =	shalt  }
0x71: {  	_ =	shalt  }
0x72: {  	_ =	shalt  }
0x73: {  	_ =	shalt  }
0x74: {  	_ =	shalt  }
0x75: {  	_ =	shalt  }
0x76: {  	_ =	shalt  }
0x77: {  	_ =	shalt  }
0x78: {  	_ =	shalt  }
0x79: {  	_ =	shalt  }
0x7a: {  	_ =	shalt  }
0x7b: {  	_ =	shalt  }
0x7c: {  	_ =	shalt  }
0x7d: {  	_ =	shalt  }
0x7e: {  	_ =	shalt  }
0x7f: {  	_ =	shalt  }
0x80: {  	_ =	shalt  }
0x81: {  	_ =	shalt  }
0x82: {  	_ =	shalt  }
0x83: {  	_ =	shalt  }
0x84: {  	_ =	shalt  }
0x85: {  	_ =	shalt  }
0x86: {  	_ =	shalt  }
0x87: {  	_ =	shalt  }
.Lfunc_end0:
.L_simem_size_0:
called_computation_lowered:
.L_overlay_start_0:
0x88: {  	s2 =	sld [smem:$0x3FD9]  }
0x89: {  	s3 =	sld [smem:$0x3FFE];
	_ =	sdelay $0x1  }
0x8a: {  	s1 =	srdreg.scid  }
0x8b: {  	s0 =	sand.u32 $0x1, s1  }
0x8c: {  	s17 =	sshll.u32 s0, $0xA;
	s2 =	sadd.s32 s3, s2  }
0x8d: {  	s2 =	sadd.s32 s2, s17  }
0x8e: {  	[smem:$0x3FC6] =	sst s2  }
0x8f: {  	_ = 	snop  }
0x90: {  	s2 =	sld [smem:$0x3FC8]  }
0x91: {  	s18 =	sld [smem:$0x3FD0];
	(tm) =	ssettm $0x1  }
0x92: {  	s4 =	sld [smem:$0x3FFB];
	_ =	sdelay $0x3  }
0x93: {  	_ =	strace s4  }
0x94: {  	s4 =	sld [smem:$0x3FFC];
	_ =	sdelay $0x3  }
0x95: {  	_ =	strace s4  }
0x96: {  	s4 =	sld [smem:$0x3FFD];
	_ =	sdelay $0x3  }
0x97: {  	_ =	strace s4  }
0x98: {  	_ =	strace $0x8FFFFFFF  }
0x99: {  	s19 =	sld [smem:$0x3FDB];
	_ =	sdelay $0x1  }
0x9a: {  	s5 =	simm.s32 $_scs_section_size  }
0x9b: {  	s6 =	simm.s32 $_size__tile_overlayer_lowered;
	s7 =	simm.s32 $_tile_overlayer_lowered  }
0x9c: {  	s22 =	simm.s32 $0x1BFF;
	s21 =	sshll.u32 s7, $0x1;
	s4 =	sadd.s32 s5, s19  }
0x9d: {  	s8 =	simm.s32 $0x0;
	s20 =	sshll.u32 s6, $0x1;
	s6 =	sadd.s32 s21, s4  }
0x9e: {  	[timem:s8], [sflag:s22] =	dma.local [hbm:s6], s20  }
0x9f: {  	_ =	swait.ge [sflag:s22], s20  }
0xa0: {  	s5 =	ssub.s32 $0x0, s20;
	[sflag:s22] =	ssyncset.done $0x0  }
0xa1: {  	[sflag:s22] =	ssyncadd.s32 s5;
	_ =	sdelay $0x1  }
0xa2: {  	s23 =	simm.s32 $0x1B8B  }
0xa3: {  	_ =	swait.ge [sflag:s23], $0x1  }
0xa4: {  	[sflag:s23] =	ssyncset.done $0x0  }
0xa5: {  	s25 =	simm.s32 $0x1B8E;
	s24 =	sld [smem:$0x3FFE];
	[sflag:s23] =	ssyncadd.s32 $0xFFFFFFFF  }
0xa6: {  	s26 =	simm.s32 $execute0_lowered;
	[smem:$0x3FD2] =	sst s25  }
0xa7: {  	s6 =	sshll.u32 s26, $0x1;
	_ =	strace $0x80000046;
	[dreg:$0x1] =	wrdreg $0xFFFFFFFF  }
0xa8: {  	s28 =	simm.s32 $_size_execute0_lowered;
	s4 =	sadd.s32 s4, s6;
	[dreg:$0x0] =	wrdreg $0x0  }
0xa9: {  	s6 =	sshll.u32 s28, $0x1;
	[dreg:$0x2] =	wrdreg s4  }
0xaa: {  	[dreg:$0x3] =	wrdreg s6  }
0xab: {  	[dreg:$0x4] =	wrdreg $0xC0  }
0xac: {  	_ =	task [dreg:s8], $0x5FFFF  }
0xad: {  	[dreg:$0x1] =	wrdreg $0xFFFFFFFF  }
0xae: {  	[dreg:$0x0] =	wrdreg $0x60  }
0xaf: {  	[dreg:$0x2] =	wrdreg s24  }
0xb0: {  	[dreg:$0x3] =	wrdreg s2  }
0xb1: {  	[dreg:$0x4] =	wrdreg s18  }
0xb2: {  	[dreg:$0x5] =	wrdreg $0x9  }
0xb3: {  	_ =	task.clear_ibuf [dreg:s8], $0x6FFFF;
	_ =	strace $0x90000046  }
0xb4: {  	s29 =	simm.s32 $0x9;
	_ =	strace $0x80000048  }
0xb5: {  	_ =	swait.ge [sflag:s29], $0x1  }
0xb6: {  	[sflag:s29] =	ssyncadd.s32 $0xFFFFFFFF  }
0xb7: {  	_ =	strace $0x90000048  }
0xb8: {  	_ =	sfence  }
0xb9: {  	s30 =	sld [smem:$0x0];
	_ =	sdelay $0x2  }
0xba: {  	s31 =	sshll.u32 s1, $0xD;
	s1 =	sshrl.u32 s1, $0x2  }
0xbb: {  	s3 =	sand.u32 $0x4000, s31;
	s1 =	sadd.s32 s1, s30  }
0xbc: {  	s0 =	sor.u32 s3, s0;
	s1 =	sshll.u32 s1, $0x11  }
0xbd: {  	s0 =	sor.u32 s1, s0  }
0xbe: {  	s0 =	sadd.s32 $0x8F2B, s0  }
0xbf: {  	[sflag:s0] =	ssyncadd.remote.s32 $0x1  }
0xc0: {  	_ =	sfence.sel $0xFFFF  }
0xc1: {  	[dreg:$0x0] =	wrdreg $0xFFFFFFFF;
	(pc) =	sbr.abs _section_cstart, $3  }
0xc2: {  	[dreg:$0x1] =	wrdreg $0xFFFFFFFF  }
0xc3: {  	_ =	task.clear_ibuf [dreg:s8], $0x2FFFF;
	_ =	strace $0x9FFFFFFF  }
0xc4: {  	(tm) =	ssettm $0x7FFFFFFF  }
0xc5: {  	_ =	shalt  }
tec
execute0_lowered:
.L_overlay_start_1:
0x0: {  	(tag) =	ssettag $0x1  }
0x1: {  	s4 =	rddreg [dreg:$0x0]  }
0x2: {  	s2 =	rddreg [dreg:$0x1];
	s0 =	srdreg.scid  }
0x3: {  	s6 =	rddreg [dreg:$0x2];
	s1 =	stileid.u32;
	s3 =	simm.s32 $0x0  }
0x4: {  	s10 =	simm.s32 $0x3;
	s11 =	simm.s32 $0x1;
	s12 =	simm.s32 $0x2  }
0x5: {  	s13 =	simm.s32 $0x1100;
	s14 =	simm.s32 $0x0;
	s5 =	sand.u32 $0x1, s0  }
0x6: {  	s0 =	rddreg [dreg:$0x3];
	s7 =	sshll.u32 s1, $0x6;
	s8 =	sshll.u32 s5, $0x5  }
0x7: {  	[smem:$0x7FF] =	sst s3;
	s5 =	ssub.s32 $0x2, s5;
	s7 =	sor.u32 s8, s7  }
0x8: {  	v0 =	vlaneseq.u32;
	_ =	strace $0x80000047;
	s9 =	sshrl.u32 s5, $0x1;
	s8 =	sshll.u32 s7, $0x4  }
0x9: {  	v0 =	vmul.u32 $0x80, v0;
	s9 =	ssub.s32 s5, s9;
	s7 =	sshrl.u32 s7, $0x3;
	s8 =	sadd.s32 s8, s4  }
0xa: {  	s6 =	sadd.s32 s6, s7;
	s7 =	smax.u32 s9, $0x1;
	s9 =	simm.s32 $0x1000  }
0xb: {  	v1 =	vor.u32 $0x800, v0;
	s4 =	sadd.s32 $0x600, s8;
	s5 =	sadd.s32 $0x700, s8;
	s8 =	simm.s32 $0x800  }
.LBB2_1:
0xc: {  	[tilespmem:s3], [sflag:$0x1] =	stream.linear.gather [hbm4b:s4+s3], $0x800, $0x38;
	[tilespmem:$0x1180] =	vst v63  }
0xd: {  	s15 =	simm.s32 $0x1  }
0xe: {  	v2 =	vmov s15;
	[tilespmem:s8], [sflag:$0x2] =	stream.linear.gather [hbm4b:s5+s3], $0x800, $0x38;
	[tilespmem:$0x1180] =	vst v63  }
0xf: {  	v2 =	vand.u32 $0x7D, v2  }
0x10: {  	v2 =	vbroadcast v2, $0x0;
	[tilespmem:s9], [sflag:$0x3] =	stream.linear.gather [hbm4b:s2+s3], $0xC9, $0x38;
	[tilespmem:$0x1180] =	vst v63  }
0x11: {  	s25 =	simm.s32 $0x2;
	_ =	swait.ge [sflag:s10], $0xC9  }
0x12: {  	v3 =	vmov s25;
	v2 =	vor.u32 v0, v2;
	[sflag:s10] =	ssyncset.done $0x0  }
0x13: {  	s28 =	simm.s32 $0x5;
	v3 =	vand.u32 $0x7E, v3;
	[sflag:s10] =	ssyncadd.s32 $0xFFFFFF37  }
0x14: {  	v4 =	vmov s3;
	v13 =	vmov s28;
	v3 =	vbroadcast v3, $0x0;
	_ =	swait.ge [sflag:s11], $0x800  }
0x15: {  	s29 =	simm.s32 $0x6;
	v4 =	vand.u32 $0x7C, v4;
	v13 =	vand.u32 $0x7D, v13;
	[sflag:s11] =	ssyncset.done $0x0  }
0x16: {  	v14 =	vmov s29;
	v13 =	vbroadcast v13, $0x0;
	v3 =	vor.u32 v0, v3;
	[sflag:s11] =	ssyncadd.s32 $0xFFFFF800  }
0x17: {  	v14 =	vand.u32 $0x7E, v14;
	v5 =	vld.idx.msk [tilespmem:v2+s3+$0x0], $0xffff;
	v2 =	vbroadcast v4, $0x0  }
0x18: {  	v14 =	vbroadcast v14, $0x0;
	v13 =	vor.u32 v0, v13  }
0x19: {  	s26 =	simm.s32 $0x3;
	v6 =	vor.u32 v0, v2  }
0x1a: {  	v14 =	vor.u32 v0, v14;
	v4 =	vmov s26  }
0x1b: {  	v2 =	vand.u32 $0x7F, v4;
	v4 =	vld.idx.msk [tilespmem:v3+s3+$0x0], $0xffff  }
0x1c: {  	v3 =	vbroadcast v2, $0x0  }
0x1d: {  	s30 =	simm.s32 $0x7;
	v20 =	vld.idx.msk [tilespmem:v13+s3+$0x0], $0xffff  }
0x1e: {  	s31 =	simm.s32 $0x4;
	v18 =	vmov s30;
	v3 =	vor.u32 v0, v3;
	v8 =	vshrl.u32 v5, $0x18;
	v6 =	vld.idx.msk [tilespmem:v6+s3+$0x0], $0xffff  }
0x1f: {  	v13 =	vld.idx.msk [tilespmem:v14+s3+$0x0], $0xffff;
	v14 =	vmov s31;
	v7 =	vshrl.u32 v5, $0x8;
	v8 =	vadd.s32 $0x1, v8  }
0x20: {  	v9 =	vshrl.u32 v5, $0x10;
	v5 =	vand.u32 $0xFF, v5;
	v11 =	vand.u32 $0xFF, v4  }
0x21: {  	v7 =	vand.u32 $0xFF, v7;
	v10 =	vshrl.u32 v4, $0x8;
	v11 =	vadd.s32 $0x1, v11  }
0x22: {  	v5 =	vadd.s32 $0x1, v5;
	v9 =	vand.u32 $0xFF, v9;
	v10 =	vand.u32 $0xFF, v10  }
0x23: {  	v7 =	vadd.s32 $0x1, v7;
	v10 =	vadd.s32 $0x1, v10;
	v16 =	vld.idx.msk [tilespmem:v3+s3+$0x0], $0xffff;
	v15 =	vshrl.u32 v6, $0x8  }
0x24: {  	v3 =	vld.idx.msk [tilespmem:v8+s9+$0x0], $0xffff;
	v8 =	vadd.s32 $0x1, v9;
	v9 =	vshrl.u32 v4, $0x10;
	v15 =	vand.u32 $0xFF, v15  }
0x25: {  	v14 =	vand.u32 $0x7C, v14;
	v9 =	vand.u32 $0xFF, v9;
	v15 =	vadd.s32 $0x1, v15  }
0x26: {  	v12 =	vshrl.u32 v4, $0x18;
	v4 =	vld.idx.msk [tilespmem:v11+s9+$0x0], $0xffff;
	v11 =	vshrl.u32 v6, $0x10;
	v9 =	vadd.s32 $0x1, v9  }
0x27: {  	v14 =	vbroadcast v14, $0x0;
	v5 =	vld.idx.msk [tilespmem:v5+s9+$0x0], $0xffff;
	v17 =	vand.u32 $0xFF, v6;
	v11 =	vand.u32 $0xFF, v11  }
0x28: {  	v7 =	vld.idx.msk [tilespmem:v7+s9+$0x0], $0xffff;
	v17 =	vadd.s32 $0x1, v17;
	v19 =	vadd.s32 $0x1, v11;
	v11 =	vand.u32 $0x7F, v18  }
0x29: {  	v6 =	vshrl.u32 v6, $0x18;
	v18 =	vld.idx.msk [tilespmem:v10+s9+$0x0], $0xffff;
	v10 =	vbroadcast v11, $0x0;
	v11 =	vshrl.u32 v16, $0x8  }
0x2a: {  	v12 =	vadd.s32 $0x1, v12;
	v21 =	vadd.s32 $0x1, v6;
	v6 =	vld.idx.msk [tilespmem:v15+s9+$0x0], $0xffff;
	v15 =	vand.u32 $0xFF, v11  }
0x2b: {  	v9 =	vld.idx.msk [tilespmem:v9+s9+$0x0], $0xffff;
	v11 =	vor.u32 v0, v10;
	v23 =	vadd.s32 $0x1, v15;
	v15 =	vshrl.u32 v16, $0x18  }
0x2c: {  	v10 =	vld.idx.msk [tilespmem:v8+s9+$0x0], $0xffff;
	v8 =	vshrl.u32 v16, $0x10;
	v16 =	vand.u32 $0xFF, v16;
	v24 =	vadd.s32 $0x1, v15  }
0x2d: {  	v2 =	vimm.f32 $0.0e+00;
	v29 =	vor.u32 v0, v14;
	v28 =	vld.idx.msk [tilespmem:v17+s9+$0x0], $0xffff;
	v16 =	vadd.s32 $0x1, v16  }
0x2e: {  	v22 =	vshrl.u32 v20, $0x18;
	v26 =	vand.u32 $0xFF, v13;
	v27 =	vld.idx.msk [tilespmem:v19+s9+$0x0], $0xffff;
	v15 =	vshrl.u32 v20, $0x8  }
0x2f: {  	v19 =	vshrl.u32 v20, $0x10;
	v14 =	vand.u32 $0xFF, v15;
	v15 =	vld.idx.msk [tilespmem:v21+s9+$0x0], $0xffff;
	v17 =	vadd.f32 v6, v2  }
0x30: {  	v8 =	vand.u32 $0xFF, v8;
	v25 =	vand.u32 $0xFF, v19;
	v21 =	vshrl.u32 v13, $0x8;
	v6 =	vld.idx.msk [tilespmem:v12+s9+$0x0], $0xffff  }
0x31: {  	v12 =	vadd.s32 $0x1, v22;
	v22 =	vadd.s32 $0x1, v8;
	v30 =	vadd.f32 v7, v17;
	v7 =	vld.idx.msk [tilespmem:v24+s9+$0x0], $0xffff  }
0x32: {  	v14 =	vadd.s32 $0x1, v14;
	v24 =	vand.u32 $0xFF, v20;
	v20 =	vand.u32 $0xFF, v21;
	v17 =	vld.idx.msk [tilespmem:v16+s9+$0x0], $0xffff  }
0x33: {  	v16 =	vadd.s32 $0x1, v20;
	v20 =	vld.idx.msk [tilespmem:v23+s9+$0x0], $0xffff;
	v21 =	vadd.s32 $0x1, v24;
	v24 =	vadd.f32 v28, v2  }
0x34: {  	s15 =	simm.s32 $0x8;
	v8 =	vshrl.u32 v13, $0x18;
	v23 =	vadd.f32 v27, v2;
	v19 =	vadd.f32 v18, v30;
	v18 =	vld.idx.msk [tilespmem:v29+s3+$0x0], $0xffff  }
.LBB2_2:
0x35: {  	s17 =	sadd.s32 $0x1, s15  }
0x36: {  	p0 =	slt.u32 s15, $0x7C;
	v25 =	vadd.s32 $0x1, v25;
	v26 =	vadd.s32 $0x1, v26;
	v13 =	vshrl.u32 v13, $0x10;
	v22 =	vld.idx.msk [tilespmem:v22+s9+$0x0], $0xffff;
	s16 =	smov.u32 s15;
	s15 =	sadd.s32 $0x4, s15  }
0x37: {  	v27 =	vmov s17;
	s17 =	sadd.s32 $0x2, s16;
	v13 =	vand.u32 $0xFF, v13;
	v10 =	vadd.f32 v10, v23  }
0x38: {  	v5 =	vadd.f32 v5, v24;
	v23 =	vand.u32 $0x7D, v27;
	v27 =	vmov s17  }
0x39: {  	v23 =	vbroadcast v23, $0x0;
	v24 =	vand.u32 $0x7E, v27;
	v9 =	vadd.f32 v9, v10  }
0x3a: {  	v4 =	vadd.f32 v4, v5;
	v19 =	vadd.f32 v20, v19;
	v10 =	vbroadcast v24, $0x0  }
0x3b: {  	v2 =	vadd.f32 v15, v2;
	v5 =	vshrl.u32 v18, $0x8;
	v20 =	vshrl.u32 v18, $0x10;
	v24 =	vld.idx.msk [tilespmem:v11+s3+$0x0], $0xffff  }
0x3c: {  	v11 =	vor.u32 v0, v23;
	v5 =	vand.u32 $0xFF, v5;
	v23 =	vadd.f32 v17, v4;
	v12 =	vld.idx.msk [tilespmem:v12+s9+$0x0], $0xffff  }
0x3d: {  	v2 =	vadd.f32 v3, v2;
	v17 =	vand.u32 $0xFF, v20;
	v15 =	vadd.s32 $0x1, v5;
	v4 =	vld.idx.msk [tilespmem:v26+s9+$0x0], $0xffff  }
0x3e: {  	s17 =	sadd.s32 $0x3, s16;
	v3 =	vand.u32 $0xFF, v18;
	v27 =	vadd.f32 v22, v9;
	v10 =	vor.u32 v0, v10;
	v5 =	vld.idx.msk [tilespmem:v21+s9+$0x0], $0xffff  }
0x3f: {  	v2 =	vadd.f32 v6, v2;
	v9 =	vmov s17;
	v17 =	vadd.s32 $0x1, v17;
	v20 =	vld.idx.msk [tilespmem:v14+s9+$0x0], $0xffff  }
0x40: {  	v6 =	vand.u32 $0x7F, v9;
	v9 =	vshrl.u32 v18, $0x18;
	v14 =	vadd.s32 $0x1, v13;
	v18 =	vld.idx.msk [tilespmem:v16+s9+$0x0], $0xffff  }
0x41: {  	v2 =	vadd.f32 v7, v2;
	v6 =	vbroadcast v6, $0x0;
	v16 =	vld.idx.msk [tilespmem:v11+s3+$0x0], $0xffff;
	v11 =	vshrl.u32 v24, $0x8  }
0x42: {  	v7 =	vadd.s32 $0x1, v3;
	v21 =	vadd.s32 $0x1, v9;
	v3 =	vmovc v12;
	v15 =	vld.idx.msk [tilespmem:v15+s9+$0x0], $0xffff;
	v9 =	vand.u32 $0xFF, v11  }
0x43: {  	v11 =	vor.u32 v0, v6;
	v6 =	vadd.s32 $0x1, v8;
	v13 =	vld.idx.msk [tilespmem:v10+s3+$0x0], $0xffff;
	v28 =	vadd.s32 $0x1, v9  }
0x44: {  	v22 =	vshrl.u32 v24, $0x18;
	v12 =	vshrl.u32 v24, $0x10;
	v8 =	vmov s16;
	v10 =	vld.idx.msk [tilespmem:v25+s9+$0x0], $0xffff  }
0x45: {  	v8 =	vand.u32 $0x7C, v8;
	v9 =	vld.idx.msk [tilespmem:v14+s9+$0x0], $0xffff;
	v14 =	vand.u32 $0xFF, v24;
	v24 =	vadd.s32 $0x1, v22  }
0x46: {  	v8 =	vbroadcast v8, $0x0;
	v22 =	vand.u32 $0xFF, v12;
	v29 =	vld.idx.msk [tilespmem:v17+s9+$0x0], $0xffff;
	v17 =	vadd.s32 $0x1, v14  }
0x47: {  	v12 =	vshrl.u32 v16, $0x8;
	v25 =	vshrl.u32 v16, $0x10;
	v26 =	vshrl.u32 v16, $0x18;
	v30 =	vld.idx.msk [tilespmem:v7+s9+$0x0], $0xffff  }
0x48: {  	v31 =	vor.u32 v0, v8;
	v7 =	vand.u32 $0xFF, v12;
	v19 =	vadd.f32 v15, v19;
	v6 =	vld.idx.msk [tilespmem:v6+s9+$0x0], $0xffff  }
.Ltmp0:
0x49: {  	v22 =	vadd.s32 $0x1, v22;
	v12 =	vadd.s32 $0x1, v26;
	v14 =	vadd.s32 $0x1, v7;
	v15 =	vld.idx.msk [tilespmem:v21+s9+$0x0], $0xffff;
	(pc) =	sbr.rel @p0 .LBB2_2-.Ltmp0, $4  }
0x4a: {  	v8 =	vshrl.u32 v13, $0x18;
	v21 =	vshrl.u32 v13, $0x8;
	v19 =	vadd.f32 v20, v19;
	v7 =	vld.idx.msk [tilespmem:v24+s9+$0x0], $0xffff  }
0x4b: {  	v26 =	vand.u32 $0xFF, v13;
	v24 =	vand.u32 $0xFF, v16;
	v16 =	vand.u32 $0xFF, v21;
	v17 =	vld.idx.msk [tilespmem:v17+s9+$0x0], $0xffff  }
0x4c: {  	v25 =	vand.u32 $0xFF, v25;
	v16 =	vadd.s32 $0x1, v16;
	v19 =	vadd.f32 v18, v19;
	v20 =	vld.idx.msk [tilespmem:v28+s9+$0x0], $0xffff  }
0x4d: {  	v21 =	vadd.s32 $0x1, v24;
	v24 =	vadd.f32 v30, v23;
	v23 =	vadd.f32 v29, v27;
	v18 =	vld.idx.msk [tilespmem:v31+s3+$0x0], $0xffff  }
0x4e: {  	_ =	sdelay $0x3  }
0x4f: {  	v22 =	vld.idx.msk [tilespmem:v22+s9+$0x0], $0xffff;
	v27 =	vshrl.u32 v18, $0x8;
	v28 =	vand.u32 $0xFF, v18  }
0x50: {  	v11 =	vld.idx.msk [tilespmem:v11+s3+$0x0], $0xffff;
	v27 =	vand.u32 $0xFF, v27;
	v28 =	vadd.s32 $0x1, v28  }
0x51: {  	v26 =	vadd.s32 $0x1, v26;
	v21 =	vld.idx.msk [tilespmem:v21+s9+$0x0], $0xffff;
	v29 =	vshrl.u32 v18, $0x10;
	v27 =	vadd.s32 $0x1, v27  }
0x52: {  	v25 =	vadd.s32 $0x1, v25;
	v13 =	vshrl.u32 v13, $0x10;
	v14 =	vld.idx.msk [tilespmem:v14+s9+$0x0], $0xffff;
	v29 =	vand.u32 $0xFF, v29  }
0x53: {  	v16 =	vld.idx.msk [tilespmem:v16+s9+$0x0], $0xffff;
	v2 =	vadd.f32 v15, v2;
	v13 =	vand.u32 $0xFF, v13;
	v29 =	vadd.s32 $0x1, v29  }
0x54: {  	v12 =	vld.idx.msk [tilespmem:v12+s9+$0x0], $0xffff;
	v5 =	vadd.f32 v5, v24;
	v10 =	vadd.f32 v10, v23;
	v18 =	vshrl.u32 v18, $0x18  }
0x55: {  	v24 =	vshrl.u32 v11, $0x8;
	v18 =	vadd.s32 $0x1, v18;
	v30 =	vand.u32 $0xFF, v11;
	v28 =	vld.idx.msk [tilespmem:v28+s9+$0x0], $0xffff  }
0x56: {  	v4 =	vadd.f32 v4, v5;
	v24 =	vand.u32 $0xFF, v24;
	v5 =	vld.idx.msk [tilespmem:v27+s9+$0x0], $0xffff;
	v27 =	vadd.s32 $0x1, v30  }
0x57: {  	v13 =	vadd.s32 $0x1, v13;
	v2 =	vadd.f32 v3, v2;
	v23 =	vadd.s32 $0x1, v24;
	v24 =	vld.idx.msk [tilespmem:v25+s9+$0x0], $0xffff  }
0x58: {  	v3 =	vadd.s32 $0x1, v8;
	v4 =	vadd.f32 v17, v4;
	v25 =	vshrl.u32 v11, $0x10;
	v15 =	vld.idx.msk [tilespmem:v29+s9+$0x0], $0xffff  }
0x59: {  	v9 =	vadd.f32 v9, v10;
	v10 =	vadd.f32 v20, v19;
	v26 =	vld.idx.msk [tilespmem:v26+s9+$0x0], $0xffff;
	v17 =	vand.u32 $0xFF, v25  }
0x5a: {  	v2 =	vadd.f32 v6, v2;
	v17 =	vadd.s32 $0x1, v17;
	v8 =	vld.idx.msk [tilespmem:v18+s9+$0x0], $0xffff;
	v4 =	vadd.f32 v28, v4  }
0x5b: {  	v9 =	vadd.f32 v22, v9;
	v11 =	vshrl.u32 v11, $0x18;
	v5 =	vadd.f32 v5, v10;
	v10 =	vld.idx.msk [tilespmem:v27+s9+$0x0], $0xffff  }
0x5c: {  	v13 =	vld.idx.msk [tilespmem:v13+s9+$0x0], $0xffff;
	v6 =	vadd.s32 $0x1, v11;
	v4 =	vadd.f32 v21, v4  }
0x5d: {  	v2 =	vadd.f32 v7, v2;
	v11 =	vld.idx.msk [tilespmem:v23+s9+$0x0], $0xffff;
	v9 =	vadd.f32 v15, v9  }
0x5e: {  	v3 =	vld.idx.msk [tilespmem:v3+s9+$0x0], $0xffff;
	v5 =	vadd.f32 v14, v5;
	v4 =	vadd.f32 v26, v4  }
0x5f: {  	v7 =	vld.idx.msk [tilespmem:v17+s9+$0x0], $0xffff;
	v2 =	vadd.f32 v8, v2;
	v9 =	vadd.f32 v24, v9  }
0x60: {  	v5 =	vadd.f32 v16, v5;
	v4 =	vadd.f32 v10, v4  }
0x61: {  	v6 =	vld.idx.msk [tilespmem:v6+s9+$0x0], $0xffff;
	v2 =	vadd.f32 v12, v2;
	v8 =	vadd.f32 v13, v9  }
0x62: {  	v5 =	vadd.f32 v11, v5;
	v4 =	vadd.f32 $0.0e+00, v4  }
0x63: {  	v2 =	vadd.f32 v3, v2  }
0x64: {  	s15 =	simm.s32 $0x1;
	v7 =	vadd.f32 v7, v8;
	v3 =	vadd.f32 v5, v4  }
0x65: {  	v4 =	vmov s15  }
0x66: {  	v2 =	vadd.f32 v6, v2;
	v4 =	vand.u32 $0x7D, v4;
	v3 =	vadd.f32 v7, v3  }
0x67: {  	v4 =	vbroadcast v4, $0x0  }
0x68: {  	s24 =	simm.s32 $0x2;
	v2 =	vadd.f32 v2, v3  }
0x69: {  	v3 =	vmov s24;
	v4 =	vor.u32 v1, v4  }
0x6a: {  	v3 =	vand.u32 $0x7E, v3;
	[tilespmem:$0x1100] =	vst v2  }
0x6b: {  	s25 =	simm.s32 $0x0;
	v2 =	vbroadcast v3, $0x0;
	_ =	swait.ge [sflag:s12], $0x800  }
0x6c: {  	v3 =	vmov s25;
	[sflag:s12] =	ssyncset.done $0x0  }
0x6d: {  	v3 =	vand.u32 $0x7C, v3;
	v2 =	vor.u32 v1, v2;
	[sflag:s12] =	ssyncadd.s32 $0xFFFFF800  }
0x6e: {  	s26 =	simm.s32 $0x3;
	v3 =	vbroadcast v3, $0x0;
	v4 =	vld.idx.msk [tilespmem:v4+s3+$0x0], $0xffff  }
0x6f: {  	v5 =	vmov s26  }
0x70: {  	v5 =	vand.u32 $0x7F, v5;
	v3 =	vor.u32 v1, v3  }
0x71: {  	s28 =	simm.s32 $0x5;
	s30 =	simm.s32 $0x7;
	v5 =	vbroadcast v5, $0x0  }
0x72: {  	v18 =	vmov s30;
	v13 =	vmov s28;
	v6 =	vld.idx.msk [tilespmem:v2+s3+$0x0], $0xffff  }
0x73: {  	v5 =	vor.u32 v1, v5;
	v2 =	vimm.f32 $0.0e+00;
	v7 =	vshrl.u32 v4, $0x8  }
0x74: {  	v8 =	vshrl.u32 v4, $0x18;
	v9 =	vshrl.u32 v4, $0x10;
	v4 =	vand.u32 $0xFF, v4  }
0x75: {  	v10 =	vld.idx.msk [tilespmem:v3+s3+$0x0], $0xffff;
	v7 =	vand.u32 $0xFF, v7;
	v8 =	vadd.s32 $0x1, v8;
	v14 =	vadd.s32 $0x1, v4  }
0x76: {  	v4 =	vand.u32 $0x7D, v13;
	v9 =	vand.u32 $0xFF, v9;
	v7 =	vadd.s32 $0x1, v7  }
0x77: {  	s29 =	simm.s32 $0x6;
	v4 =	vbroadcast v4, $0x0;
	v3 =	vshrl.u32 v6, $0x8;
	v11 =	vand.u32 $0xFF, v6  }
0x78: {  	v13 =	vmov s29;
	v11 =	vadd.s32 $0x1, v11;
	v3 =	vand.u32 $0xFF, v3  }
0x79: {  	v16 =	vld.idx.msk [tilespmem:v5+s3+$0x0], $0xffff;
	v17 =	vor.u32 v1, v4;
	v15 =	vadd.s32 $0x1, v3;
	v3 =	vand.u32 $0x7E, v13  }
0x7a: {  	v12 =	vshrl.u32 v6, $0x18;
	v13 =	vshrl.u32 v10, $0x8;
	v5 =	vbroadcast v3, $0x0;
	v3 =	vld.idx.msk [tilespmem:v8+s9+$0x0], $0xffff  }
0x7b: {  	v6 =	vshrl.u32 v6, $0x10;
	v4 =	vand.u32 $0xFF, v13;
	v8 =	vadd.s32 $0x1, v9;
	v7 =	vld.idx.msk [tilespmem:v7+s9+$0x0], $0xffff  }
0x7c: {  	v6 =	vand.u32 $0xFF, v6;
	v9 =	vadd.s32 $0x1, v4;
	v13 =	vor.u32 v1, v5;
	v5 =	vld.idx.msk [tilespmem:v14+s9+$0x0], $0xffff  }
0x7d: {  	v12 =	vadd.s32 $0x1, v12;
	v6 =	vadd.s32 $0x1, v6;
	v4 =	vld.idx.msk [tilespmem:v11+s9+$0x0], $0xffff;
	v11 =	vshrl.u32 v10, $0x10  }
0x7e: {  	v14 =	vand.u32 $0xFF, v10;
	v10 =	vshrl.u32 v10, $0x18;
	v17 =	vld.idx.msk [tilespmem:v17+s3+$0x0], $0xffff;
	v11 =	vand.u32 $0xFF, v11  }
0x7f: {  	v14 =	vadd.s32 $0x1, v14;
	v19 =	vadd.s32 $0x1, v11;
	v11 =	vand.u32 $0x7F, v18;
	v18 =	vld.idx.msk [tilespmem:v15+s9+$0x0], $0xffff  }
0x80: {  	v20 =	vadd.s32 $0x1, v10;
	v15 =	vshrl.u32 v16, $0x8;
	v10 =	vld.idx.msk [tilespmem:v8+s9+$0x0], $0xffff;
	v8 =	vshrl.u32 v16, $0x10  }
0x81: {  	s31 =	simm.s32 $0x4;
	v11 =	vbroadcast v11, $0x0;
	v21 =	vld.idx.msk [tilespmem:v9+s9+$0x0], $0xffff;
	v9 =	vand.u32 $0xFF, v15;
	v15 =	vshrl.u32 v16, $0x18  }
0x82: {  	v8 =	vand.u32 $0xFF, v8;
	v13 =	vld.idx.msk [tilespmem:v13+s3+$0x0], $0xffff;
	v23 =	vadd.s32 $0x1, v9;
	v9 =	vmov s31  }
0x83: {  	v22 =	vand.u32 $0x7C, v9;
	v9 =	vld.idx.msk [tilespmem:v6+s9+$0x0], $0xffff;
	v6 =	vand.u32 $0xFF, v16;
	v16 =	vadd.s32 $0x1, v15  }
0x84: {  	v11 =	vor.u32 v1, v11;
	v24 =	vshrl.u32 v17, $0x10;
	v61 =	vld.idx.msk [tilespmem:v14+s9+$0x0], $0xffff;
	v15 =	vbroadcast v22, $0x0  }
0x85: {  	v22 =	vshrl.u32 v17, $0x18;
	v27 =	vld.idx.msk [tilespmem:v19+s9+$0x0], $0xffff;
	v19 =	vadd.s32 $0x1, v6;
	v6 =	vshrl.u32 v17, $0x8  }
0x86: {  	v62 =	vor.u32 v1, v15;
	v14 =	vand.u32 $0xFF, v6;
	v21 =	vadd.f32 v21, v2;
	v6 =	vld.idx.msk [tilespmem:v12+s9+$0x0], $0xffff  }
0x87: {  	v63 =	vand.u32 $0xFF, v17;
	v25 =	vand.u32 $0xFF, v24;
	v12 =	vadd.s32 $0x1, v22;
	v15 =	vld.idx.msk [tilespmem:v20+s9+$0x0], $0xffff  }
0x88: {  	v22 =	vadd.s32 $0x1, v8;
	v20 =	vshrl.u32 v13, $0x8;
	v21 =	vadd.f32 v7, v21;
	v7 =	vld.idx.msk [tilespmem:v16+s9+$0x0], $0xffff  }
0x89: {  	v14 =	vadd.s32 $0x1, v14;
	v8 =	vshrl.u32 v13, $0x18;
	v16 =	vand.u32 $0xFF, v20;
	v20 =	vld.idx.msk [tilespmem:v23+s9+$0x0], $0xffff  }
0x8a: {  	v26 =	vand.u32 $0xFF, v13;
	v24 =	vadd.f32 v61, v2;
	v16 =	vadd.s32 $0x1, v16;
	v17 =	vld.idx.msk [tilespmem:v19+s9+$0x0], $0xffff  }
0x8b: {  	s15 =	simm.s32 $0x8;
	v19 =	vadd.f32 v18, v21;
	v21 =	vadd.s32 $0x1, v63;
	v23 =	vadd.f32 v27, v2;
	v18 =	vld.idx.msk [tilespmem:v62+s3+$0x0], $0xffff  }
.LBB2_4:
0x8c: {  	s17 =	sadd.s32 $0x1, s15  }
0x8d: {  	p0 =	slt.u32 s15, $0x7C;
	v25 =	vadd.s32 $0x1, v25;
	v26 =	vadd.s32 $0x1, v26;
	v13 =	vshrl.u32 v13, $0x10;
	v22 =	vld.idx.msk [tilespmem:v22+s9+$0x0], $0xffff;
	s16 =	smov.u32 s15;
	s15 =	sadd.s32 $0x4, s15  }
0x8e: {  	v27 =	vmov s17;
	s17 =	sadd.s32 $0x2, s16;
	v13 =	vand.u32 $0xFF, v13;
	v10 =	vadd.f32 v10, v23  }
0x8f: {  	v5 =	vadd.f32 v5, v24;
	v23 =	vand.u32 $0x7D, v27;
	v27 =	vmov s17  }
0x90: {  	v23 =	vbroadcast v23, $0x0;
	v24 =	vand.u32 $0x7E, v27;
	v9 =	vadd.f32 v9, v10  }
0x91: {  	v4 =	vadd.f32 v4, v5;
	v19 =	vadd.f32 v20, v19;
	v10 =	vbroadcast v24, $0x0  }
0x92: {  	v2 =	vadd.f32 v15, v2;
	v5 =	vshrl.u32 v18, $0x8;
	v20 =	vshrl.u32 v18, $0x10;
	v24 =	vld.idx.msk [tilespmem:v11+s3+$0x0], $0xffff  }
0x93: {  	v11 =	vor.u32 v1, v23;
	v5 =	vand.u32 $0xFF, v5;
	v23 =	vadd.f32 v17, v4;
	v12 =	vld.idx.msk [tilespmem:v12+s9+$0x0], $0xffff  }
0x94: {  	v2 =	vadd.f32 v3, v2;
	v17 =	vand.u32 $0xFF, v20;
	v15 =	vadd.s32 $0x1, v5;
	v4 =	vld.idx.msk [tilespmem:v26+s9+$0x0], $0xffff  }
0x95: {  	s17 =	sadd.s32 $0x3, s16;
	v3 =	vand.u32 $0xFF, v18;
	v27 =	vadd.f32 v22, v9;
	v10 =	vor.u32 v1, v10;
	v5 =	vld.idx.msk [tilespmem:v21+s9+$0x0], $0xffff  }
0x96: {  	v2 =	vadd.f32 v6, v2;
	v9 =	vmov s17;
	v17 =	vadd.s32 $0x1, v17;
	v20 =	vld.idx.msk [tilespmem:v14+s9+$0x0], $0xffff  }
0x97: {  	v6 =	vand.u32 $0x7F, v9;
	v9 =	vshrl.u32 v18, $0x18;
	v14 =	vadd.s32 $0x1, v13;
	v18 =	vld.idx.msk [tilespmem:v16+s9+$0x0], $0xffff  }
0x98: {  	v2 =	vadd.f32 v7, v2;
	v6 =	vbroadcast v6, $0x0;
	v16 =	vld.idx.msk [tilespmem:v11+s3+$0x0], $0xffff;
	v11 =	vshrl.u32 v24, $0x8  }
0x99: {  	v7 =	vadd.s32 $0x1, v3;
	v21 =	vadd.s32 $0x1, v9;
	v3 =	vmovc v12;
	v15 =	vld.idx.msk [tilespmem:v15+s9+$0x0], $0xffff;
	v9 =	vand.u32 $0xFF, v11  }
0x9a: {  	v11 =	vor.u32 v1, v6;
	v6 =	vadd.s32 $0x1, v8;
	v13 =	vld.idx.msk [tilespmem:v10+s3+$0x0], $0xffff;
	v28 =	vadd.s32 $0x1, v9  }
0x9b: {  	v22 =	vshrl.u32 v24, $0x18;
	v12 =	vshrl.u32 v24, $0x10;
	v8 =	vmov s16;
	v10 =	vld.idx.msk [tilespmem:v25+s9+$0x0], $0xffff  }
0x9c: {  	v8 =	vand.u32 $0x7C, v8;
	v9 =	vld.idx.msk [tilespmem:v14+s9+$0x0], $0xffff;
	v14 =	vand.u32 $0xFF, v24;
	v24 =	vadd.s32 $0x1, v22  }
0x9d: {  	v8 =	vbroadcast v8, $0x0;
	v22 =	vand.u32 $0xFF, v12;
	v29 =	vld.idx.msk [tilespmem:v17+s9+$0x0], $0xffff;
	v17 =	vadd.s32 $0x1, v14  }
0x9e: {  	v12 =	vshrl.u32 v16, $0x8;
	v25 =	vshrl.u32 v16, $0x10;
	v26 =	vshrl.u32 v16, $0x18;
	v30 =	vld.idx.msk [tilespmem:v7+s9+$0x0], $0xffff  }
0x9f: {  	v31 =	vor.u32 v1, v8;
	v7 =	vand.u32 $0xFF, v12;
	v19 =	vadd.f32 v15, v19;
	v6 =	vld.idx.msk [tilespmem:v6+s9+$0x0], $0xffff  }
.Ltmp1:
0xa0: {  	v22 =	vadd.s32 $0x1, v22;
	v12 =	vadd.s32 $0x1, v26;
	v14 =	vadd.s32 $0x1, v7;
	v15 =	vld.idx.msk [tilespmem:v21+s9+$0x0], $0xffff;
	(pc) =	sbr.rel @p0 .LBB2_4-.Ltmp1, $4  }
0xa1: {  	v8 =	vshrl.u32 v13, $0x18;
	v21 =	vshrl.u32 v13, $0x8;
	v19 =	vadd.f32 v20, v19;
	v7 =	vld.idx.msk [tilespmem:v24+s9+$0x0], $0xffff  }
0xa2: {  	v26 =	vand.u32 $0xFF, v13;
	v24 =	vand.u32 $0xFF, v16;
	v16 =	vand.u32 $0xFF, v21;
	v17 =	vld.idx.msk [tilespmem:v17+s9+$0x0], $0xffff  }
0xa3: {  	v25 =	vand.u32 $0xFF, v25;
	v16 =	vadd.s32 $0x1, v16;
	v19 =	vadd.f32 v18, v19;
	v20 =	vld.idx.msk [tilespmem:v28+s9+$0x0], $0xffff  }
0xa4: {  	v21 =	vadd.s32 $0x1, v24;
	v24 =	vadd.f32 v30, v23;
	v23 =	vadd.f32 v29, v27;
	v18 =	vld.idx.msk [tilespmem:v31+s3+$0x0], $0xffff  }
0xa5: {  	_ =	sdelay $0x3  }
0xa6: {  	v22 =	vld.idx.msk [tilespmem:v22+s9+$0x0], $0xffff;
	v28 =	vand.u32 $0xFF, v18  }
0xa7: {  	v11 =	vld.idx.msk [tilespmem:v11+s3+$0x0], $0xffff;
	v27 =	vshrl.u32 v18, $0x8;
	v28 =	vadd.s32 $0x1, v28  }
0xa8: {  	v26 =	vadd.s32 $0x1, v26;
	v21 =	vld.idx.msk [tilespmem:v21+s9+$0x0], $0xffff;
	v29 =	vshrl.u32 v18, $0x10;
	v27 =	vand.u32 $0xFF, v27  }
0xa9: {  	v25 =	vadd.s32 $0x1, v25;
	v14 =	vld.idx.msk [tilespmem:v14+s9+$0x0], $0xffff;
	v29 =	vand.u32 $0xFF, v29;
	v27 =	vadd.s32 $0x1, v27  }
0xaa: {  	v13 =	vshrl.u32 v13, $0x10;
	v16 =	vld.idx.msk [tilespmem:v16+s9+$0x0], $0xffff;
	v2 =	vadd.f32 v15, v2;
	v29 =	vadd.s32 $0x1, v29  }
0xab: {  	v12 =	vld.idx.msk [tilespmem:v12+s9+$0x0], $0xffff;
	v13 =	vand.u32 $0xFF, v13;
	v5 =	vadd.f32 v5, v24;
	v48 =	vshrl.u32 v18, $0x18  }
0xac: {  	v10 =	vadd.f32 v10, v23;
	v18 =	vadd.s32 $0x1, v48;
	v30 =	vand.u32 $0xFF, v11;
	v28 =	vld.idx.msk [tilespmem:v28+s9+$0x0], $0xffff  }
0xad: {  	v4 =	vadd.f32 v4, v5;
	v26 =	vld.idx.msk [tilespmem:v26+s9+$0x0], $0xffff;
	v49 =	vshrl.u32 v11, $0x8;
	v51 =	vadd.s32 $0x1, v30  }
0xae: {  	v13 =	vadd.s32 $0x1, v13;
	v2 =	vadd.f32 v3, v2;
	v24 =	vand.u32 $0xFF, v49;
	v50 =	vld.idx.msk [tilespmem:v27+s9+$0x0], $0xffff  }
0xaf: {  	v54 =	vshrl.u32 v11, $0x10;
	v4 =	vadd.f32 v17, v4;
	v52 =	vadd.s32 $0x1, v24;
	v55 =	vld.idx.msk [tilespmem:v29+s9+$0x0], $0xffff  }
0xb0: {  	v3 =	vadd.s32 $0x1, v8;
	v9 =	vadd.f32 v9, v10;
	v53 =	vld.idx.msk [tilespmem:v25+s9+$0x0], $0xffff;
	v56 =	vand.u32 $0xFF, v54  }
0xb1: {  	v57 =	vadd.f32 v20, v19;
	v17 =	vadd.s32 $0x1, v56;
	v58 =	vld.idx.msk [tilespmem:v18+s9+$0x0], $0xffff;
	v4 =	vadd.f32 v28, v4  }
0xb2: {  	v2 =	vadd.f32 v6, v2;
	v9 =	vadd.f32 v22, v9;
	v11 =	vshrl.u32 v11, $0x18;
	v59 =	vld.idx.msk [tilespmem:v51+s9+$0x0], $0xffff  }
0xb3: {  	v60 =	vadd.s32 $0x1, v11;
	v13 =	vld.idx.msk [tilespmem:v13+s9+$0x0], $0xffff;
	v5 =	vadd.f32 v50, v57;
	v4 =	vadd.f32 v21, v4  }
0xb4: {  	v2 =	vadd.f32 v7, v2;
	v61 =	vld.idx.msk [tilespmem:v52+s9+$0x0], $0xffff;
	v9 =	vadd.f32 v55, v9  }
0xb5: {  	v3 =	vld.idx.msk [tilespmem:v3+s9+$0x0], $0xffff;
	v5 =	vadd.f32 v14, v5;
	v4 =	vadd.f32 v26, v4  }
0xb6: {  	v62 =	vld.idx.msk [tilespmem:v17+s9+$0x0], $0xffff;
	v2 =	vadd.f32 v58, v2;
	v9 =	vadd.f32 v53, v9  }
0xb7: {  	v5 =	vadd.f32 v16, v5;
	v4 =	vadd.f32 v59, v4  }
0xb8: {  	v6 =	vld.idx.msk [tilespmem:v60+s9+$0x0], $0xffff;
	v2 =	vadd.f32 v12, v2;
	v63 =	vadd.f32 v13, v9  }
0xb9: {  	v5 =	vadd.f32 v61, v5;
	v4 =	vadd.f32 $0.0e+00, v4  }
0xba: {  	v2 =	vadd.f32 v3, v2  }
0xbb: {  	v7 =	vadd.f32 v62, v63;
	v3 =	vadd.f32 v5, v4;
	_ =	sdelay $0x1  }
0xbc: {  	v2 =	vadd.f32 v6, v2;
	v3 =	vadd.f32 v7, v3;
	_ =	sdelay $0x1  }
0xbd: {  	s14 =	sadd.s32 $0x1, s14;
	v2 =	vadd.f32 v2, v3  }
0xbe: {  	p0 =	sne.s32 s14, s7  }
.Ltmp2:
0xbf: {  	[tilespmem:$0x1110] =	vst v2;
	(pc) =	sbr.rel @p0 .LBB2_1-.Ltmp2, $4  }
0xc0: {  	[hbm4b:s6+s3] =	stream.linear.scatter [tilespmem:s13], [sflag:$0x3], $0x20, $0x38;
	[tilespmem:$0x1180] =	vst v63  }
0xc1: {  	_ =	swait.ge [sflag:s10], $0x20  }
0xc2: {  	[sflag:s10] =	ssyncset.done $0x0  }
0xc3: {  	[sflag:s10] =	ssyncadd.s32 $0xFFFFFFE0  }
0xc4: {  	_ =	sfence.sel $0x180000  }
0xc5: {  	[bflag:$0x0] =	sbarrier.arrive $0xFFFF  }
0xc6: {  	p0 =	sne.s32 s1, $0x0;
	_ =	strace $0x90000047  }
0xc7: {  	s0 =	sadd.s32 @!p0 $0x100000, s0;
	[bflag:$0x2] =	sbarrier.arrive $0xFFFF  }
0xc8: {  	[sflag:s0] =	ssyncadd.tile.s32 @!p0 $0x1;
	_ =	shalt  }
.Lfunc_end2:
_tile_overlayer_lowered:
.L_overlay_start_2:
0xc9: {  	(tag) =	ssettag $0x2  }
0xca: {  	s0 =	rddreg [dreg:$0x0];
	s2 =	stileid.u32  }
0xcb: {  	s1 =	rddreg [dreg:$0x1];
	p0 =	sne.s32 s2, $0x0  }
0xcc: {  	s3 =	rddreg [dreg:$0x2];
	[bflag:$0x3] =	sbarrier.arrive $0xFFFF;
	s2 =	simm.s32 @!p0 $0x1C03  }
0xcd: {  	[timem:s3], [sflag:s2] =	dma.local @!p0 [hbm:s0], s1  }
0xce: {  	s0 =	simm.s32 @!p0 $0x3  }
0xcf: {  	_ =	swait.ge @!p0 [sflag:s0], s1  }
0xd0: {  	s1 =	ssub.s32 @!p0 $0x0, s1;
	[sflag:s0] =	ssyncset.done @!p0 $0x0  }
0xd1: {  	[sflag:s0] =	ssyncadd.s32 @!p0 s1  }
0xd2: {  	[bflag:$0x3] =	sbarrier.arrive $0xFFFF  }
0xd3: {  	_ =	shalt  }

</sc_bundles>
